<compile_context>
chip_gen: v7x
topology: tpu7x:2x2x1
jax: 0.10.2.dev20260603
libtpu: 0.0.44.dev20260713+nightly
codegen_flags: <defaults>
</compile_context>

<pallas_src>
import jax
import jax.numpy as jnp
from jax import lax
from jax.experimental import pallas as pl
from jax.experimental.pallas import tpu as pltpu
from jax.experimental.pallas import tpu_sc as plsc

VOCAB = 100000
MAX_LEN = 200
EMB_DIM = 64
BATCH = 4096
SEQ_LEN = 200

NC, NS = 2, 16
NW = NC * NS
TOTAL_ROWS = BATCH * SEQ_LEN
ROWS_PER_W = TOTAL_ROWS // NW
BATCH_PER_W = BATCH // NW
CHUNK = SEQ_LEN
N_CHUNKS = BATCH_PER_W
SUB_SPLITS = [(0, 128), (128, 72)]


def _body(x_hbm, wt_hbm, pos_hbm, out_hbm,
          idx0, idx1, rows0, rows1, outv0, outv1, pos_v,
          isem0, isem1, gsem0, gsem1, osem0, osem1):
    idx = [idx0, idx1]
    rows = [rows0, rows1]
    outv = [outv0, outv1]
    isem = [isem0, isem1]
    gsem = [gsem0, gsem1]
    osem = [osem0, osem1]

    wid = lax.axis_index("s") * NC + lax.axis_index("c")
    w_base = wid * ROWS_PER_W
    w_batch = wid * BATCH_PER_W

    def gather_ops(b, issue):
        for off, n in SUB_SPLITS:
            cp = pltpu.make_async_copy(
                wt_hbm.at[idx[b].at[pl.ds(off, n)]],
                rows[b].at[pl.ds(off, n)],
                gsem[b],
            )
            if issue:
                cp.start()
            else:
                cp.wait()

    def wait_out(b):
        pltpu.make_async_copy(
            outv[b], out_hbm.at[0], osem[b]).wait()

    def add_pos(b):
        def add_body(p, carry):
            for j in range(EMB_DIM // 16):
                pv = pos_v[pl.ds(p * EMB_DIM + j * 16, 16)]
                outv[b][p, pl.ds(j * 16, 16)] = (
                    rows[b][p, pl.ds(j * 16, 16)] + pv)
            return carry
        lax.fori_loop(0, SEQ_LEN, add_body, 0)

    pltpu.sync_copy(pos_hbm, pos_v)
    pltpu.sync_copy(x_hbm.at[pl.ds(w_base, CHUNK)], idx[0])
    gather_ops(0, True)
    pltpu.async_copy(x_hbm.at[pl.ds(w_base + CHUNK, CHUNK)], idx[1], isem[1])

    def half(g, a):
        b = 1 - a

        @pl.when(g + 1 < N_CHUNKS)
        def _():
            pltpu.make_async_copy(
                x_hbm.at[pl.ds(0, CHUNK)], idx[b], isem[b]).wait()
            gather_ops(b, True)

        gather_ops(a, False)

        @pl.when(g + 2 < N_CHUNKS)
        def _():
            pltpu.async_copy(
                x_hbm.at[pl.ds(w_base + (g + 2) * CHUNK, CHUNK)],
                idx[a], isem[a])

        @pl.when(g > 1)
        def _():
            wait_out(a)

        add_pos(a)
        pltpu.async_copy(outv[a], out_hbm.at[w_batch + g], osem[a])

    def pair_body(t, carry):
        half(2 * t, 0)
        half(2 * t + 1, 1)
        return carry

    lax.fori_loop(0, N_CHUNKS // 2, pair_body, 0)
    wait_out(0)
    wait_out(1)


@jax.jit
def kernel(x, word_table, pos_table):
    x_flat = x.reshape(TOTAL_ROWS)
    pos_flat = pos_table.reshape(MAX_LEN * EMB_DIM)
    wt_wide = jnp.concatenate([word_table, word_table], axis=1)
    mesh = plsc.VectorSubcoreMesh(core_axis_name="c", subcore_axis_name="s")
    out = pl.kernel(
        _body,
        out_type=jax.ShapeDtypeStruct((BATCH, SEQ_LEN, EMB_DIM), jnp.float32),
        mesh=mesh,
        scratch_types=[
            pltpu.VMEM((CHUNK,), jnp.int32),
            pltpu.VMEM((CHUNK,), jnp.int32),
            pltpu.VMEM((CHUNK, 2 * EMB_DIM), jnp.float32),
            pltpu.VMEM((CHUNK, 2 * EMB_DIM), jnp.float32),
            pltpu.VMEM((SEQ_LEN, EMB_DIM), jnp.float32),
            pltpu.VMEM((SEQ_LEN, EMB_DIM), jnp.float32),
            pltpu.VMEM((MAX_LEN * EMB_DIM,), jnp.float32),
            pltpu.SemaphoreType.DMA,
            pltpu.SemaphoreType.DMA,
            pltpu.SemaphoreType.DMA,
            pltpu.SemaphoreType.DMA,
            pltpu.SemaphoreType.DMA,
            pltpu.SemaphoreType.DMA,
        ],
    )(x_flat, wt_wide, pos_flat)
    return out

# --- scband reference (transcript-rebuilt; emitter-appended) ---
"""Pipeline reference for scband-embedding-76261439308081 (READ-ONLY COPY).

The authoritative reference and input builder live on the scoring server;
editing this copy changes nothing except your own understanding.
"""

import jax, jax.numpy as jnp
import numpy as np

VOCAB = 100000
MAX_LEN = 200
EMB_DIM = 64
BATCH = 4096
SEQ_LEN = 200


def setup_inputs(seed: int = 0) -> dict:
    key = jax.random.key(seed)
    k1, k2, k3 = jax.random.split(key, 3)
    x = jax.random.randint(k1, (BATCH, SEQ_LEN), 0, VOCAB, dtype=jnp.int32)
    word_table = jax.random.normal(k2, (VOCAB, EMB_DIM), dtype=jnp.float32)
    pos_table = jax.random.normal(k3, (MAX_LEN, EMB_DIM), dtype=jnp.float32)
    return {"x": x, "word_table": word_table, "pos_table": pos_table}


def reference(x, word_table, pos_table):
    # word embedding lookup: gather rows of word_table by token ids
    word_emb = jnp.take(word_table, x, axis=0)  # [B, L, D]
    # position embedding: positions 0..L-1 broadcast over batch
    len_sequence = x.shape[1]
    word_pos = jnp.arange(0, len_sequence, dtype=jnp.int32)
    pos_emb = jnp.take(pos_table, word_pos, axis=0)  # [L, D]
    embedding = word_emb + pos_emb[None, :, :]
    # dropout is identity at inference time (eval mode)
    return embedding

if __name__ == "__main__":
    import jax
    _d = setup_inputs()
    print(jax.jit(kernel)(*tuple(_d.values())))

</pallas_src>

<mosaic_0001>
#map = affine_map<(d0, d1) -> (0)>
#map1 = affine_map<(d0, d1) -> (0, 0)>
#map2 = affine_map<(d0, d1) -> (0, 0, 0)>
module attributes {stable_mosaic.version = 14 : i64} {
  func.func @_body(%arg0: i32, %arg1: i32, %arg2: memref<819200xi32, #tpu.memory_space<hbm>>, %arg3: memref<100000x128xf32, #tpu.memory_space<hbm>>, %arg4: memref<12800xf32, #tpu.memory_space<hbm>>, %arg5: memref<4096x200x64xf32, #tpu.memory_space<hbm>>, %arg6: memref<200xi32, #tpu.memory_space<vmem>>, %arg7: memref<200xi32, #tpu.memory_space<vmem>>, %arg8: memref<200x128xf32, #tpu.memory_space<vmem>>, %arg9: memref<200x128xf32, #tpu.memory_space<vmem>>, %arg10: memref<200x64xf32, #tpu.memory_space<vmem>>, %arg11: memref<200x64xf32, #tpu.memory_space<vmem>>, %arg12: memref<12800xf32, #tpu.memory_space<vmem>>, %arg13: memref<!tpu.dma_semaphore, #tpu.memory_space<semaphore_mem>>, %arg14: memref<!tpu.dma_semaphore, #tpu.memory_space<semaphore_mem>>, %arg15: memref<!tpu.dma_semaphore, #tpu.memory_space<semaphore_mem>>, %arg16: memref<!tpu.dma_semaphore, #tpu.memory_space<semaphore_mem>>, %arg17: memref<!tpu.dma_semaphore, #tpu.memory_space<semaphore_mem>>, %arg18: memref<!tpu.dma_semaphore, #tpu.memory_space<semaphore_mem>>) attributes {dimension_semantics = [#tpu.dimension_semantics<core_parallel>, #tpu.dimension_semantics<subcore_parallel>], iteration_bounds = array<i64: 2, 16>, scalar_prefetch = 0 : i64, scratch_operands = 13 : i64, tpu.core_type = #tpu.core_type<sc_vector_subcore>, window_params = [{transform_indices = #map}, {transform_indices = #map1}, {transform_indices = #map}, {transform_indices = #map2}]} {
    %mul3A = arith.constant 2 : i32
    %mul3A_0 = arith.muli %arg1, %mul3A : i32
    %add3A = arith.addi %mul3A_0, %arg0 : i32
    %mul3A_1 = arith.constant 25600 : i32
    %mul3A_2 = arith.muli %add3A, %mul3A_1 : i32
    %mul3A_3 = arith.constant 128 : i32
    %mul3A_4 = arith.muli %add3A, %mul3A_3 : i32
    "tpu.region"() ({
      %run_scoped3A = tpu.sem_alloc : memref<!tpu.dma_semaphore, #tpu.memory_space<semaphore_mem>>
      tpu.enqueue_dma source(%arg4 : memref<12800xf32, #tpu.memory_space<hbm>>) target(%arg12 : memref<12800xf32, #tpu.memory_space<vmem>>) target_semaphore(%run_scoped3A : memref<!tpu.dma_semaphore, #tpu.memory_space<semaphore_mem>>)
      tpu.wait_dma2 semaphore(%run_scoped3A : memref<!tpu.dma_semaphore, #tpu.memory_space<semaphore_mem>>) src(%arg4 : memref<12800xf32, #tpu.memory_space<hbm>>) dst(%arg12 : memref<12800xf32, #tpu.memory_space<vmem>>)
      tpu.yield
    }) : () -> ()
    "tpu.region"() ({
      %run_scoped3A = tpu.sem_alloc : memref<!tpu.dma_semaphore, #tpu.memory_space<semaphore_mem>>
      %dma_start3A_46 = tpu.memref_slice %arg2[%mul3A_2] : memref<819200xi32, #tpu.memory_space<hbm>> -> memref<200xi32, #tpu.memory_space<hbm>>
      %dma_start3A_47 = tpu.memref_slice %arg2[%mul3A_2] : memref<819200xi32, #tpu.memory_space<hbm>> -> memref<200xi32, #tpu.memory_space<hbm>>
      tpu.enqueue_dma source(%dma_start3A_47 : memref<200xi32, #tpu.memory_space<hbm>>) target(%arg6 : memref<200xi32, #tpu.memory_space<vmem>>) target_semaphore(%run_scoped3A : memref<!tpu.dma_semaphore, #tpu.memory_space<semaphore_mem>>)
      %dma_wait3A_48 = tpu.memref_slice %arg2[%mul3A_2] : memref<819200xi32, #tpu.memory_space<hbm>> -> memref<200xi32, #tpu.memory_space<hbm>>
      %dma_wait3A_49 = tpu.memref_slice %arg2[%mul3A_2] : memref<819200xi32, #tpu.memory_space<hbm>> -> memref<200xi32, #tpu.memory_space<hbm>>
      tpu.wait_dma2 semaphore(%run_scoped3A : memref<!tpu.dma_semaphore, #tpu.memory_space<semaphore_mem>>) src(%dma_wait3A_49 : memref<200xi32, #tpu.memory_space<hbm>>) dst(%arg6 : memref<200xi32, #tpu.memory_space<vmem>>)
      tpu.yield
    }) : () -> ()
    %dma_start3A = arith.constant 0 : i32
    %dma_start3A_5 = arith.constant 0 : i32
    %dma_start3A_6 = tpu.memref_slice %arg8[%dma_start3A, %dma_start3A_5] : memref<200x128xf32, #tpu.memory_space<vmem>> -> memref<128x128xf32, #tpu.memory_space<vmem>>
    %dma_start3A_7 = arith.constant 0 : i32
    %dma_start3A_8 = tpu.memref_slice %arg6[%dma_start3A_7] : memref<200xi32, #tpu.memory_space<vmem>> -> memref<128xi32, #tpu.memory_space<vmem>>
    %dma_start3A_9 = arith.constant 0 : i32
    %dma_start3A_10 = arith.constant 0 : i32
    %dma_start3A_11 = tpu.memref_slice %arg3[%dma_start3A_9, %dma_start3A_10] : memref<100000x128xf32, #tpu.memory_space<hbm>> -> memref<100000x128xf32, #tpu.memory_space<hbm>>
    tpu.enqueue_indirect_dma source(%dma_start3A_11 : memref<100000x128xf32, #tpu.memory_space<hbm>>) target(%dma_start3A_6 : memref<128x128xf32, #tpu.memory_space<vmem>>) offsets(%dma_start3A_8 : memref<128xi32, #tpu.memory_space<vmem>>) semaphore(%arg15 : memref<!tpu.dma_semaphore, #tpu.memory_space<semaphore_mem>>)
    %dma_start3A_12 = arith.constant 128 : i32
    %dma_start3A_13 = arith.constant 0 : i32
    %dma_start3A_14 = tpu.memref_slice %arg8[%dma_start3A_12, %dma_start3A_13] : memref<200x128xf32, #tpu.memory_space<vmem>> -> memref<72x128xf32, #tpu.memory_space<vmem>>
    %dma_start3A_15 = arith.constant 128 : i32
    %dma_start3A_16 = tpu.memref_slice %arg6[%dma_start3A_15] : memref<200xi32, #tpu.memory_space<vmem>> -> memref<72xi32, #tpu.memory_space<vmem>>
    %dma_start3A_17 = arith.constant 0 : i32
    %dma_start3A_18 = arith.constant 0 : i32
    %dma_start3A_19 = tpu.memref_slice %arg3[%dma_start3A_17, %dma_start3A_18] : memref<100000x128xf32, #tpu.memory_space<hbm>> -> memref<100000x128xf32, #tpu.memory_space<hbm>>
    tpu.enqueue_indirect_dma source(%dma_start3A_19 : memref<100000x128xf32, #tpu.memory_space<hbm>>) target(%dma_start3A_14 : memref<72x128xf32, #tpu.memory_space<vmem>>) offsets(%dma_start3A_16 : memref<72xi32, #tpu.memory_space<vmem>>) semaphore(%arg15 : memref<!tpu.dma_semaphore, #tpu.memory_space<semaphore_mem>>)
    %add3A_20 = arith.constant 200 : i32
    %add3A_21 = arith.addi %mul3A_2, %add3A_20 : i32
    %dma_start3A_22 = tpu.memref_slice %arg2[%add3A_21] : memref<819200xi32, #tpu.memory_space<hbm>> -> memref<200xi32, #tpu.memory_space<hbm>>
    %dma_start3A_23 = tpu.memref_slice %arg2[%add3A_21] : memref<819200xi32, #tpu.memory_space<hbm>> -> memref<200xi32, #tpu.memory_space<hbm>>
    tpu.enqueue_dma source(%dma_start3A_23 : memref<200xi32, #tpu.memory_space<hbm>>) target(%arg7 : memref<200xi32, #tpu.memory_space<vmem>>) target_semaphore(%arg14 : memref<!tpu.dma_semaphore, #tpu.memory_space<semaphore_mem>>)
    %scan3A = arith.constant 0 : i32
    %scan3A_24 = arith.constant 0 : i32
    %scan3A_25 = arith.constant 64 : i32
    %scan3A_26 = arith.addi %scan3A_24, %scan3A_25 : i32
    %scan3A_27 = arith.constant 1 : i32
    scf.for %scan3A_46 = %scan3A_24 to %scan3A_26 step %scan3A_27  : i32 {
      %mul3A_47 = arith.constant 2 : i32
      %mul3A_48 = arith.muli %mul3A_47, %scan3A_46 : i32
      %add3A_49 = arith.constant 1 : i32
      %add3A_50 = arith.addi %mul3A_48, %add3A_49 : i32
      %lt3A = arith.constant 128 : i32
      %lt3A_51 = arith.cmpi slt, %add3A_50, %lt3A : i32
      %convert_element_type3A = arith.extui %lt3A_51 : i1 to i32
      %cond3A = arith.constant 0 : i32
      %cond3A_52 = arith.cmpi ne, %convert_element_type3A, %cond3A : i32
      scf.if %cond3A_52 {
        %dma_wait3A_149 = arith.constant 0 : i32
        %dma_wait3A_150 = tpu.memref_slice %arg2[%dma_wait3A_149] : memref<819200xi32, #tpu.memory_space<hbm>> -> memref<200xi32, #tpu.memory_space<hbm>>
        %dma_wait3A_151 = arith.constant 0 : i32
        %dma_wait3A_152 = tpu.memref_slice %arg2[%dma_wait3A_151] : memref<819200xi32, #tpu.memory_space<hbm>> -> memref<200xi32, #tpu.memory_space<hbm>>
        tpu.wait_dma2 semaphore(%arg14 : memref<!tpu.dma_semaphore, #tpu.memory_space<semaphore_mem>>) src(%dma_wait3A_152 : memref<200xi32, #tpu.memory_space<hbm>>) dst(%arg7 : memref<200xi32, #tpu.memory_space<vmem>>)
        %dma_start3A_153 = arith.constant 0 : i32
        %dma_start3A_154 = arith.constant 0 : i32
        %dma_start3A_155 = tpu.memref_slice %arg9[%dma_start3A_153, %dma_start3A_154] : memref<200x128xf32, #tpu.memory_space<vmem>> -> memref<128x128xf32, #tpu.memory_space<vmem>>
        %dma_start3A_156 = arith.constant 0 : i32
        %dma_start3A_157 = tpu.memref_slice %arg7[%dma_start3A_156] : memref<200xi32, #tpu.memory_space<vmem>> -> memref<128xi32, #tpu.memory_space<vmem>>
        %dma_start3A_158 = arith.constant 0 : i32
        %dma_start3A_159 = arith.constant 0 : i32
        %dma_start3A_160 = tpu.memref_slice %arg3[%dma_start3A_158, %dma_start3A_159] : memref<100000x128xf32, #tpu.memory_space<hbm>> -> memref<100000x128xf32, #tpu.memory_space<hbm>>
        tpu.enqueue_indirect_dma source(%dma_start3A_160 : memref<100000x128xf32, #tpu.memory_space<hbm>>) target(%dma_start3A_155 : memref<128x128xf32, #tpu.memory_space<vmem>>) offsets(%dma_start3A_157 : memref<128xi32, #tpu.memory_space<vmem>>) semaphore(%arg16 : memref<!tpu.dma_semaphore, #tpu.memory_space<semaphore_mem>>)
        %dma_start3A_161 = arith.constant 128 : i32
        %dma_start3A_162 = arith.constant 0 : i32
        %dma_start3A_163 = tpu.memref_slice %arg9[%dma_start3A_161, %dma_start3A_162] : memref<200x128xf32, #tpu.memory_space<vmem>> -> memref<72x128xf32, #tpu.memory_space<vmem>>
        %dma_start3A_164 = arith.constant 128 : i32
        %dma_start3A_165 = tpu.memref_slice %arg7[%dma_start3A_164] : memref<200xi32, #tpu.memory_space<vmem>> -> memref<72xi32, #tpu.memory_space<vmem>>
        %dma_start3A_166 = arith.constant 0 : i32
        %dma_start3A_167 = arith.constant 0 : i32
        %dma_start3A_168 = tpu.memref_slice %arg3[%dma_start3A_166, %dma_start3A_167] : memref<100000x128xf32, #tpu.memory_space<hbm>> -> memref<100000x128xf32, #tpu.memory_space<hbm>>
        tpu.enqueue_indirect_dma source(%dma_start3A_168 : memref<100000x128xf32, #tpu.memory_space<hbm>>) target(%dma_start3A_163 : memref<72x128xf32, #tpu.memory_space<vmem>>) offsets(%dma_start3A_165 : memref<72xi32, #tpu.memory_space<vmem>>) semaphore(%arg16 : memref<!tpu.dma_semaphore, #tpu.memory_space<semaphore_mem>>)
      } else {
      }
      %dma_wait3A_53 = arith.constant 0 : i32
      %dma_wait3A_54 = arith.constant 0 : i32
      %dma_wait3A_55 = tpu.memref_slice %arg8[%dma_wait3A_53, %dma_wait3A_54] : memref<200x128xf32, #tpu.memory_space<vmem>> -> memref<128x128xf32, #tpu.memory_space<vmem>>
      %dma_wait3A_56 = arith.constant 0 : i32
      %dma_wait3A_57 = tpu.memref_slice %arg6[%dma_wait3A_56] : memref<200xi32, #tpu.memory_space<vmem>> -> memref<128xi32, #tpu.memory_space<vmem>>
      %dma_wait3A_58 = arith.constant 0 : i32
      %dma_wait3A_59 = arith.constant 0 : i32
      %dma_wait3A_60 = tpu.memref_slice %arg3[%dma_wait3A_58, %dma_wait3A_59] : memref<100000x128xf32, #tpu.memory_space<hbm>> -> memref<100000x128xf32, #tpu.memory_space<hbm>>
      tpu.wait_indirect_dma semaphore(%arg15 : memref<!tpu.dma_semaphore, #tpu.memory_space<semaphore_mem>>) src(%dma_wait3A_60 : memref<100000x128xf32, #tpu.memory_space<hbm>>) dst(%dma_wait3A_55 : memref<128x128xf32, #tpu.memory_space<vmem>>)
      %dma_wait3A_61 = arith.constant 128 : i32
      %dma_wait3A_62 = arith.constant 0 : i32
      %dma_wait3A_63 = tpu.memref_slice %arg8[%dma_wait3A_61, %dma_wait3A_62] : memref<200x128xf32, #tpu.memory_space<vmem>> -> memref<72x128xf32, #tpu.memory_space<vmem>>
      %dma_wait3A_64 = arith.constant 128 : i32
      %dma_wait3A_65 = tpu.memref_slice %arg6[%dma_wait3A_64] : memref<200xi32, #tpu.memory_space<vmem>> -> memref<72xi32, #tpu.memory_space<vmem>>
      %dma_wait3A_66 = arith.constant 0 : i32
      %dma_wait3A_67 = arith.constant 0 : i32
      %dma_wait3A_68 = tpu.memref_slice %arg3[%dma_wait3A_66, %dma_wait3A_67] : memref<100000x128xf32, #tpu.memory_space<hbm>> -> memref<100000x128xf32, #tpu.memory_space<hbm>>
      tpu.wait_indirect_dma semaphore(%arg15 : memref<!tpu.dma_semaphore, #tpu.memory_space<semaphore_mem>>) src(%dma_wait3A_68 : memref<100000x128xf32, #tpu.memory_space<hbm>>) dst(%dma_wait3A_63 : memref<72x128xf32, #tpu.memory_space<vmem>>)
      %add3A_69 = arith.constant 2 : i32
      %add3A_70 = arith.addi %mul3A_48, %add3A_69 : i32
      %lt3A_71 = arith.constant 128 : i32
      %lt3A_72 = arith.cmpi slt, %add3A_70, %lt3A_71 : i32
      %convert_element_type3A_73 = arith.extui %lt3A_72 : i1 to i32
      %cond3A_74 = arith.constant 0 : i32
      %cond3A_75 = arith.cmpi ne, %convert_element_type3A_73, %cond3A_74 : i32
      scf.if %cond3A_75 {
        %add3A_149 = arith.constant 2 : i32
        %add3A_150 = arith.addi %mul3A_48, %add3A_149 : i32
        %mul3A_151 = arith.constant 200 : i32
        %mul3A_152 = arith.muli %add3A_150, %mul3A_151 : i32
        %add3A_153 = arith.addi %mul3A_2, %mul3A_152 : i32
        %dma_start3A_154 = tpu.memref_slice %arg2[%add3A_153] : memref<819200xi32, #tpu.memory_space<hbm>> -> memref<200xi32, #tpu.memory_space<hbm>>
        %dma_start3A_155 = tpu.memref_slice %arg2[%add3A_153] : memref<819200xi32, #tpu.memory_space<hbm>> -> memref<200xi32, #tpu.memory_space<hbm>>
        tpu.enqueue_dma source(%dma_start3A_155 : memref<200xi32, #tpu.memory_space<hbm>>) target(%arg6 : memref<200xi32, #tpu.memory_space<vmem>>) target_semaphore(%arg13 : memref<!tpu.dma_semaphore, #tpu.memory_space<semaphore_mem>>)
      } else {
      }
      %gt3A = arith.constant 1 : i32
      %gt3A_76 = arith.cmpi sgt, %mul3A_48, %gt3A : i32
      %convert_element_type3A_77 = arith.extui %gt3A_76 : i1 to i32
      %cond3A_78 = arith.constant 0 : i32
      %cond3A_79 = arith.cmpi ne, %convert_element_type3A_77, %cond3A_78 : i32
      scf.if %cond3A_79 {
        %dma_wait3A_149 = arith.constant 0 : i32
        %dma_wait3A_150 = arith.constant 0 : i32
        %dma_wait3A_151 = arith.constant 0 : i32
        %dma_wait3A_152 = tpu.memref_slice %arg5[%dma_wait3A_149, %dma_wait3A_150, %dma_wait3A_151] : memref<4096x200x64xf32, #tpu.memory_space<hbm>> -> memref<1x200x64xf32, #tpu.memory_space<hbm>>
        %dma_wait3A_153 = tpu.memref_squeeze %dma_wait3A_152 : memref<1x200x64xf32, #tpu.memory_space<hbm>> -> memref<200x64xf32, #tpu.memory_space<hbm>>
        %dma_wait3A_154 = arith.constant 0 : i32
        %dma_wait3A_155 = arith.constant 0 : i32
        %dma_wait3A_156 = tpu.memref_slice %arg5[%dma_wait3A_149, %dma_wait3A_154, %dma_wait3A_155] : memref<4096x200x64xf32, #tpu.memory_space<hbm>> -> memref<1x200x64xf32, #tpu.memory_space<hbm>>
        %dma_wait3A_157 = tpu.memref_squeeze %dma_wait3A_156 : memref<1x200x64xf32, #tpu.memory_space<hbm>> -> memref<200x64xf32, #tpu.memory_space<hbm>>
        tpu.wait_dma2 semaphore(%arg17 : memref<!tpu.dma_semaphore, #tpu.memory_space<semaphore_mem>>) src(%arg10 : memref<200x64xf32, #tpu.memory_space<vmem>>) dst(%dma_wait3A_157 : memref<200x64xf32, #tpu.memory_space<hbm>>)
      } else {
      }
      %scan3A_80 = arith.constant 0 : i32
      %scan3A_81 = arith.constant 0 : i32
      %scan3A_82 = arith.constant 200 : i32
      %scan3A_83 = arith.addi %scan3A_81, %scan3A_82 : i32
      %scan3A_84 = arith.constant 1 : i32
      scf.for %scan3A_149 = %scan3A_81 to %scan3A_83 step %scan3A_84  : i32 {
        %mul3A_150 = arith.constant 64 : i32
        %mul3A_151 = arith.muli %scan3A_149, %mul3A_150 : i32
        %add3A_152 = arith.constant 0 : i32
        %add3A_153 = arith.addi %mul3A_151, %add3A_152 : i32
        %get3A = arith.index_cast %add3A_153 : i32 to index
        %get3A_154 = tpu.vector_load %arg12[%get3A] {strides = array<i32>} : memref<12800xf32, #tpu.memory_space<vmem>>, vector<16xf32>,
        %get3A_155 = vector.shape_cast %get3A_154 : vector<16xf32> to vector<16xf32>
        %get3A_156 = arith.index_cast %scan3A_149 : i32 to index
        %get3A_157 = arith.constant 0 : index
        %get3A_158 = tpu.vector_load %arg8[%get3A_156, %get3A_157] {strides = array<i32>} : memref<200x128xf32, #tpu.memory_space<vmem>>, vector<1x16xf32>,
        %get3A_159 = vector.shape_cast %get3A_158 : vector<1x16xf32> to vector<16xf32>
        %add3A_160 = arith.addf %get3A_159, %get3A_155 : vector<16xf32>
        %swap3A = arith.index_cast %scan3A_149 : i32 to index
        %swap3A_161 = arith.constant 0 : index
        %swap3A_162 = tpu.vector_load %arg10[%swap3A, %swap3A_161] {strides = array<i32>} : memref<200x64xf32, #tpu.memory_space<vmem>>, vector<1x16xf32>,
        %swap3A_163 = vector.shape_cast %swap3A_162 : vector<1x16xf32> to vector<16xf32>
        %swap3A_164 = vector.shape_cast %add3A_160 : vector<16xf32> to vector<1x16xf32>
        tpu.vector_store %arg10[%swap3A, %swap3A_161], %swap3A_164 {strides = array<i32>} : memref<200x64xf32, #tpu.memory_space<vmem>>, vector<1x16xf32>,
        %mul3A_165 = arith.constant 64 : i32
        %mul3A_166 = arith.muli %scan3A_149, %mul3A_165 : i32
        %add3A_167 = arith.constant 16 : i32
        %add3A_168 = arith.addi %mul3A_166, %add3A_167 : i32
        %get3A_169 = arith.index_cast %add3A_168 : i32 to index
        %get3A_170 = tpu.vector_load %arg12[%get3A_169] {strides = array<i32>} : memref<12800xf32, #tpu.memory_space<vmem>>, vector<16xf32>,
        %get3A_171 = vector.shape_cast %get3A_170 : vector<16xf32> to vector<16xf32>
        %get3A_172 = arith.index_cast %scan3A_149 : i32 to index
        %get3A_173 = arith.constant 16 : index
        %get3A_174 = tpu.vector_load %arg8[%get3A_172, %get3A_173] {strides = array<i32>} : memref<200x128xf32, #tpu.memory_space<vmem>>, vector<1x16xf32>,
        %get3A_175 = vector.shape_cast %get3A_174 : vector<1x16xf32> to vector<16xf32>
        %add3A_176 = arith.addf %get3A_175, %get3A_171 : vector<16xf32>
        %swap3A_177 = arith.index_cast %scan3A_149 : i32 to index
        %swap3A_178 = arith.constant 16 : index
        %swap3A_179 = tpu.vector_load %arg10[%swap3A_177, %swap3A_178] {strides = array<i32>} : memref<200x64xf32, #tpu.memory_space<vmem>>, vector<1x16xf32>,
        %swap3A_180 = vector.shape_cast %swap3A_179 : vector<1x16xf32> to vector<16xf32>
        %swap3A_181 = vector.shape_cast %add3A_176 : vector<16xf32> to vector<1x16xf32>
        tpu.vector_store %arg10[%swap3A_177, %swap3A_178], %swap3A_181 {strides = array<i32>} : memref<200x64xf32, #tpu.memory_space<vmem>>, vector<1x16xf32>,
        %mul3A_182 = arith.constant 64 : i32
        %mul3A_183 = arith.muli %scan3A_149, %mul3A_182 : i32
        %add3A_184 = arith.constant 32 : i32
        %add3A_185 = arith.addi %mul3A_183, %add3A_184 : i32
        %get3A_186 = arith.index_cast %add3A_185 : i32 to index
        %get3A_187 = tpu.vector_load %arg12[%get3A_186] {strides = array<i32>} : memref<12800xf32, #tpu.memory_space<vmem>>, vector<16xf32>,
        %get3A_188 = vector.shape_cast %get3A_187 : vector<16xf32> to vector<16xf32>
        %get3A_189 = arith.index_cast %scan3A_149 : i32 to index
        %get3A_190 = arith.constant 32 : index
        %get3A_191 = tpu.vector_load %arg8[%get3A_189, %get3A_190] {strides = array<i32>} : memref<200x128xf32, #tpu.memory_space<vmem>>, vector<1x16xf32>,
        %get3A_192 = vector.shape_cast %get3A_191 : vector<1x16xf32> to vector<16xf32>
        %add3A_193 = arith.addf %get3A_192, %get3A_188 : vector<16xf32>
        %swap3A_194 = arith.index_cast %scan3A_149 : i32 to index
        %swap3A_195 = arith.constant 32 : index
        %swap3A_196 = tpu.vector_load %arg10[%swap3A_194, %swap3A_195] {strides = array<i32>} : memref<200x64xf32, #tpu.memory_space<vmem>>, vector<1x16xf32>,
        %swap3A_197 = vector.shape_cast %swap3A_196 : vector<1x16xf32> to vector<16xf32>
        %swap3A_198 = vector.shape_cast %add3A_193 : vector<16xf32> to vector<1x16xf32>
        tpu.vector_store %arg10[%swap3A_194, %swap3A_195], %swap3A_198 {strides = array<i32>} : memref<200x64xf32, #tpu.memory_space<vmem>>, vector<1x16xf32>,
        %mul3A_199 = arith.constant 64 : i32
        %mul3A_200 = arith.muli %scan3A_149, %mul3A_199 : i32
        %add3A_201 = arith.constant 48 : i32
        %add3A_202 = arith.addi %mul3A_200, %add3A_201 : i32
        %get3A_203 = arith.index_cast %add3A_202 : i32 to index
        %get3A_204 = tpu.vector_load %arg12[%get3A_203] {strides = array<i32>} : memref<12800xf32, #tpu.memory_space<vmem>>, vector<16xf32>,
        %get3A_205 = vector.shape_cast %get3A_204 : vector<16xf32> to vector<16xf32>
        %get3A_206 = arith.index_cast %scan3A_149 : i32 to index
        %get3A_207 = arith.constant 48 : index
        %get3A_208 = tpu.vector_load %arg8[%get3A_206, %get3A_207] {strides = array<i32>} : memref<200x128xf32, #tpu.memory_space<vmem>>, vector<1x16xf32>,
        %get3A_209 = vector.shape_cast %get3A_208 : vector<1x16xf32> to vector<16xf32>
        %add3A_210 = arith.addf %get3A_209, %get3A_205 : vector<16xf32>
        %swap3A_211 = arith.index_cast %scan3A_149 : i32 to index
        %swap3A_212 = arith.constant 48 : index
        %swap3A_213 = tpu.vector_load %arg10[%swap3A_211, %swap3A_212] {strides = array<i32>} : memref<200x64xf32, #tpu.memory_space<vmem>>, vector<1x16xf32>,
        %swap3A_214 = vector.shape_cast %swap3A_213 : vector<1x16xf32> to vector<16xf32>
        %swap3A_215 = vector.shape_cast %add3A_210 : vector<16xf32> to vector<1x16xf32>
        tpu.vector_store %arg10[%swap3A_211, %swap3A_212], %swap3A_215 {strides = array<i32>} : memref<200x64xf32, #tpu.memory_space<vmem>>, vector<1x16xf32>,
      }
      %scan3A_85 = arith.constant 200 : i32
      %add3A_86 = arith.addi %mul3A_4, %mul3A_48 : i32
      %dma_start3A_87 = arith.constant 0 : i32
      %dma_start3A_88 = arith.constant 0 : i32
      %dma_start3A_89 = tpu.memref_slice %arg5[%add3A_86, %dma_start3A_87, %dma_start3A_88] : memref<4096x200x64xf32, #tpu.memory_space<hbm>> -> memref<1x200x64xf32, #tpu.memory_space<hbm>>
      %dma_start3A_90 = tpu.memref_squeeze %dma_start3A_89 : memref<1x200x64xf32, #tpu.memory_space<hbm>> -> memref<200x64xf32, #tpu.memory_space<hbm>>
      %dma_start3A_91 = arith.constant 0 : i32
      %dma_start3A_92 = arith.constant 0 : i32
      %dma_start3A_93 = tpu.memref_slice %arg5[%add3A_86, %dma_start3A_91, %dma_start3A_92] : memref<4096x200x64xf32, #tpu.memory_space<hbm>> -> memref<1x200x64xf32, #tpu.memory_space<hbm>>
      %dma_start3A_94 = tpu.memref_squeeze %dma_start3A_93 : memref<1x200x64xf32, #tpu.memory_space<hbm>> -> memref<200x64xf32, #tpu.memory_space<hbm>>
      tpu.enqueue_dma source(%arg10 : memref<200x64xf32, #tpu.memory_space<vmem>>) target(%dma_start3A_94 : memref<200x64xf32, #tpu.memory_space<hbm>>) target_semaphore(%arg17 : memref<!tpu.dma_semaphore, #tpu.memory_space<semaphore_mem>>)
      %mul3A_95 = arith.constant 2 : i32
      %mul3A_96 = arith.muli %mul3A_95, %scan3A_46 : i32
      %add3A_97 = arith.constant 1 : i32
      %add3A_98 = arith.addi %mul3A_96, %add3A_97 : i32
      %add3A_99 = arith.constant 1 : i32
      %add3A_100 = arith.addi %add3A_98, %add3A_99 : i32
      %lt3A_101 = arith.constant 128 : i32
      %lt3A_102 = arith.cmpi slt, %add3A_100, %lt3A_101 : i32
      %convert_element_type3A_103 = arith.extui %lt3A_102 : i1 to i32
      %cond3A_104 = arith.constant 0 : i32
      %cond3A_105 = arith.cmpi ne, %convert_element_type3A_103, %cond3A_104 : i32
      scf.if %cond3A_105 {
        %dma_wait3A_149 = arith.constant 0 : i32
        %dma_wait3A_150 = tpu.memref_slice %arg2[%dma_wait3A_149] : memref<819200xi32, #tpu.memory_space<hbm>> -> memref<200xi32, #tpu.memory_space<hbm>>
        %dma_wait3A_151 = arith.constant 0 : i32
        %dma_wait3A_152 = tpu.memref_slice %arg2[%dma_wait3A_151] : memref<819200xi32, #tpu.memory_space<hbm>> -> memref<200xi32, #tpu.memory_space<hbm>>
        tpu.wait_dma2 semaphore(%arg13 : memref<!tpu.dma_semaphore, #tpu.memory_space<semaphore_mem>>) src(%dma_wait3A_152 : memref<200xi32, #tpu.memory_space<hbm>>) dst(%arg6 : memref<200xi32, #tpu.memory_space<vmem>>)
        %dma_start3A_153 = arith.constant 0 : i32
        %dma_start3A_154 = arith.constant 0 : i32
        %dma_start3A_155 = tpu.memref_slice %arg8[%dma_start3A_153, %dma_start3A_154] : memref<200x128xf32, #tpu.memory_space<vmem>> -> memref<128x128xf32, #tpu.memory_space<vmem>>
        %dma_start3A_156 = arith.constant 0 : i32
        %dma_start3A_157 = tpu.memref_slice %arg6[%dma_start3A_156] : memref<200xi32, #tpu.memory_space<vmem>> -> memref<128xi32, #tpu.memory_space<vmem>>
        %dma_start3A_158 = arith.constant 0 : i32
        %dma_start3A_159 = arith.constant 0 : i32
        %dma_start3A_160 = tpu.memref_slice %arg3[%dma_start3A_158, %dma_start3A_159] : memref<100000x128xf32, #tpu.memory_space<hbm>> -> memref<100000x128xf32, #tpu.memory_space<hbm>>
        tpu.enqueue_indirect_dma source(%dma_start3A_160 : memref<100000x128xf32, #tpu.memory_space<hbm>>) target(%dma_start3A_155 : memref<128x128xf32, #tpu.memory_space<vmem>>) offsets(%dma_start3A_157 : memref<128xi32, #tpu.memory_space<vmem>>) semaphore(%arg15 : memref<!tpu.dma_semaphore, #tpu.memory_space<semaphore_mem>>)
        %dma_start3A_161 = arith.constant 128 : i32
        %dma_start3A_162 = arith.constant 0 : i32
        %dma_start3A_163 = tpu.memref_slice %arg8[%dma_start3A_161, %dma_start3A_162] : memref<200x128xf32, #tpu.memory_space<vmem>> -> memref<72x128xf32, #tpu.memory_space<vmem>>
        %dma_start3A_164 = arith.constant 128 : i32
        %dma_start3A_165 = tpu.memref_slice %arg6[%dma_start3A_164] : memref<200xi32, #tpu.memory_space<vmem>> -> memref<72xi32, #tpu.memory_space<vmem>>
        %dma_start3A_166 = arith.constant 0 : i32
        %dma_start3A_167 = arith.constant 0 : i32
        %dma_start3A_168 = tpu.memref_slice %arg3[%dma_start3A_166, %dma_start3A_167] : memref<100000x128xf32, #tpu.memory_space<hbm>> -> memref<100000x128xf32, #tpu.memory_space<hbm>>
        tpu.enqueue_indirect_dma source(%dma_start3A_168 : memref<100000x128xf32, #tpu.memory_space<hbm>>) target(%dma_start3A_163 : memref<72x128xf32, #tpu.memory_space<vmem>>) offsets(%dma_start3A_165 : memref<72xi32, #tpu.memory_space<vmem>>) semaphore(%arg15 : memref<!tpu.dma_semaphore, #tpu.memory_space<semaphore_mem>>)
      } else {
      }
      %dma_wait3A_106 = arith.constant 0 : i32
      %dma_wait3A_107 = arith.constant 0 : i32
      %dma_wait3A_108 = tpu.memref_slice %arg9[%dma_wait3A_106, %dma_wait3A_107] : memref<200x128xf32, #tpu.memory_space<vmem>> -> memref<128x128xf32, #tpu.memory_space<vmem>>
      %dma_wait3A_109 = arith.constant 0 : i32
      %dma_wait3A_110 = tpu.memref_slice %arg7[%dma_wait3A_109] : memref<200xi32, #tpu.memory_space<vmem>> -> memref<128xi32, #tpu.memory_space<vmem>>
      %dma_wait3A_111 = arith.constant 0 : i32
      %dma_wait3A_112 = arith.constant 0 : i32
      %dma_wait3A_113 = tpu.memref_slice %arg3[%dma_wait3A_111, %dma_wait3A_112] : memref<100000x128xf32, #tpu.memory_space<hbm>> -> memref<100000x128xf32, #tpu.memory_space<hbm>>
      tpu.wait_indirect_dma semaphore(%arg16 : memref<!tpu.dma_semaphore, #tpu.memory_space<semaphore_mem>>) src(%dma_wait3A_113 : memref<100000x128xf32, #tpu.memory_space<hbm>>) dst(%dma_wait3A_108 : memref<128x128xf32, #tpu.memory_space<vmem>>)
      %dma_wait3A_114 = arith.constant 128 : i32
      %dma_wait3A_115 = arith.constant 0 : i32
      %dma_wait3A_116 = tpu.memref_slice %arg9[%dma_wait3A_114, %dma_wait3A_115] : memref<200x128xf32, #tpu.memory_space<vmem>> -> memref<72x128xf32, #tpu.memory_space<vmem>>
      %dma_wait3A_117 = arith.constant 128 : i32
      %dma_wait3A_118 = tpu.memref_slice %arg7[%dma_wait3A_117] : memref<200xi32, #tpu.memory_space<vmem>> -> memref<72xi32, #tpu.memory_space<vmem>>
      %dma_wait3A_119 = arith.constant 0 : i32
      %dma_wait3A_120 = arith.constant 0 : i32
      %dma_wait3A_121 = tpu.memref_slice %arg3[%dma_wait3A_119, %dma_wait3A_120] : memref<100000x128xf32, #tpu.memory_space<hbm>> -> memref<100000x128xf32, #tpu.memory_space<hbm>>
      tpu.wait_indirect_dma semaphore(%arg16 : memref<!tpu.dma_semaphore, #tpu.memory_space<semaphore_mem>>) src(%dma_wait3A_121 : memref<100000x128xf32, #tpu.memory_space<hbm>>) dst(%dma_wait3A_116 : memref<72x128xf32, #tpu.memory_space<vmem>>)
      %add3A_122 = arith.constant 2 : i32
      %add3A_123 = arith.addi %add3A_98, %add3A_122 : i32
      %lt3A_124 = arith.constant 128 : i32
      %lt3A_125 = arith.cmpi slt, %add3A_123, %lt3A_124 : i32
      %convert_element_type3A_126 = arith.extui %lt3A_125 : i1 to i32
      %cond3A_127 = arith.constant 0 : i32
      %cond3A_128 = arith.cmpi ne, %convert_element_type3A_126, %cond3A_127 : i32
      scf.if %cond3A_128 {
        %add3A_149 = arith.constant 2 : i32
        %add3A_150 = arith.addi %add3A_98, %add3A_149 : i32
        %mul3A_151 = arith.constant 200 : i32
        %mul3A_152 = arith.muli %add3A_150, %mul3A_151 : i32
        %add3A_153 = arith.addi %mul3A_2, %mul3A_152 : i32
        %dma_start3A_154 = tpu.memref_slice %arg2[%add3A_153] : memref<819200xi32, #tpu.memory_space<hbm>> -> memref<200xi32, #tpu.memory_space<hbm>>
        %dma_start3A_155 = tpu.memref_slice %arg2[%add3A_153] : memref<819200xi32, #tpu.memory_space<hbm>> -> memref<200xi32, #tpu.memory_space<hbm>>
        tpu.enqueue_dma source(%dma_start3A_155 : memref<200xi32, #tpu.memory_space<hbm>>) target(%arg7 : memref<200xi32, #tpu.memory_space<vmem>>) target_semaphore(%arg14 : memref<!tpu.dma_semaphore, #tpu.memory_space<semaphore_mem>>)
      } else {
      }
      %gt3A_129 = arith.constant 1 : i32
      %gt3A_130 = arith.cmpi sgt, %add3A_98, %gt3A_129 : i32
      %convert_element_type3A_131 = arith.extui %gt3A_130 : i1 to i32
      %cond3A_132 = arith.constant 0 : i32
      %cond3A_133 = arith.cmpi ne, %convert_element_type3A_131, %cond3A_132 : i32
      scf.if %cond3A_133 {
        %dma_wait3A_149 = arith.constant 0 : i32
        %dma_wait3A_150 = arith.constant 0 : i32
        %dma_wait3A_151 = arith.constant 0 : i32
        %dma_wait3A_152 = tpu.memref_slice %arg5[%dma_wait3A_149, %dma_wait3A_150, %dma_wait3A_151] : memref<4096x200x64xf32, #tpu.memory_space<hbm>> -> memref<1x200x64xf32, #tpu.memory_space<hbm>>
        %dma_wait3A_153 = tpu.memref_squeeze %dma_wait3A_152 : memref<1x200x64xf32, #tpu.memory_space<hbm>> -> memref<200x64xf32, #tpu.memory_space<hbm>>
        %dma_wait3A_154 = arith.constant 0 : i32
        %dma_wait3A_155 = arith.constant 0 : i32
        %dma_wait3A_156 = tpu.memref_slice %arg5[%dma_wait3A_149, %dma_wait3A_154, %dma_wait3A_155] : memref<4096x200x64xf32, #tpu.memory_space<hbm>> -> memref<1x200x64xf32, #tpu.memory_space<hbm>>
        %dma_wait3A_157 = tpu.memref_squeeze %dma_wait3A_156 : memref<1x200x64xf32, #tpu.memory_space<hbm>> -> memref<200x64xf32, #tpu.memory_space<hbm>>
        tpu.wait_dma2 semaphore(%arg18 : memref<!tpu.dma_semaphore, #tpu.memory_space<semaphore_mem>>) src(%arg11 : memref<200x64xf32, #tpu.memory_space<vmem>>) dst(%dma_wait3A_157 : memref<200x64xf32, #tpu.memory_space<hbm>>)
      } else {
      }
      %scan3A_134 = arith.constant 0 : i32
      %scan3A_135 = arith.constant 0 : i32
      %scan3A_136 = arith.constant 200 : i32
      %scan3A_137 = arith.addi %scan3A_135, %scan3A_136 : i32
      %scan3A_138 = arith.constant 1 : i32
      scf.for %scan3A_149 = %scan3A_135 to %scan3A_137 step %scan3A_138  : i32 {
        %mul3A_150 = arith.constant 64 : i32
        %mul3A_151 = arith.muli %scan3A_149, %mul3A_150 : i32
        %add3A_152 = arith.constant 0 : i32
        %add3A_153 = arith.addi %mul3A_151, %add3A_152 : i32
        %get3A = arith.index_cast %add3A_153 : i32 to index
        %get3A_154 = tpu.vector_load %arg12[%get3A] {strides = array<i32>} : memref<12800xf32, #tpu.memory_space<vmem>>, vector<16xf32>,
        %get3A_155 = vector.shape_cast %get3A_154 : vector<16xf32> to vector<16xf32>
        %get3A_156 = arith.index_cast %scan3A_149 : i32 to index
        %get3A_157 = arith.constant 0 : index
        %get3A_158 = tpu.vector_load %arg9[%get3A_156, %get3A_157] {strides = array<i32>} : memref<200x128xf32, #tpu.memory_space<vmem>>, vector<1x16xf32>,
        %get3A_159 = vector.shape_cast %get3A_158 : vector<1x16xf32> to vector<16xf32>
        %add3A_160 = arith.addf %get3A_159, %get3A_155 : vector<16xf32>
        %swap3A = arith.index_cast %scan3A_149 : i32 to index
        %swap3A_161 = arith.constant 0 : index
        %swap3A_162 = tpu.vector_load %arg11[%swap3A, %swap3A_161] {strides = array<i32>} : memref<200x64xf32, #tpu.memory_space<vmem>>, vector<1x16xf32>,
        %swap3A_163 = vector.shape_cast %swap3A_162 : vector<1x16xf32> to vector<16xf32>
        %swap3A_164 = vector.shape_cast %add3A_160 : vector<16xf32> to vector<1x16xf32>
        tpu.vector_store %arg11[%swap3A, %swap3A_161], %swap3A_164 {strides = array<i32>} : memref<200x64xf32, #tpu.memory_space<vmem>>, vector<1x16xf32>,
        %mul3A_165 = arith.constant 64 : i32
        %mul3A_166 = arith.muli %scan3A_149, %mul3A_165 : i32
        %add3A_167 = arith.constant 16 : i32
        %add3A_168 = arith.addi %mul3A_166, %add3A_167 : i32
        %get3A_169 = arith.index_cast %add3A_168 : i32 to index
        %get3A_170 = tpu.vector_load %arg12[%get3A_169] {strides = array<i32>} : memref<12800xf32, #tpu.memory_space<vmem>>, vector<16xf32>,
        %get3A_171 = vector.shape_cast %get3A_170 : vector<16xf32> to vector<16xf32>
        %get3A_172 = arith.index_cast %scan3A_149 : i32 to index
        %get3A_173 = arith.constant 16 : index
        %get3A_174 = tpu.vector_load %arg9[%get3A_172, %get3A_173] {strides = array<i32>} : memref<200x128xf32, #tpu.memory_space<vmem>>, vector<1x16xf32>,
        %get3A_175 = vector.shape_cast %get3A_174 : vector<1x16xf32> to vector<16xf32>
        %add3A_176 = arith.addf %get3A_175, %get3A_171 : vector<16xf32>
        %swap3A_177 = arith.index_cast %scan3A_149 : i32 to index
        %swap3A_178 = arith.constant 16 : index
        %swap3A_179 = tpu.vector_load %arg11[%swap3A_177, %swap3A_178] {strides = array<i32>} : memref<200x64xf32, #tpu.memory_space<vmem>>, vector<1x16xf32>,
        %swap3A_180 = vector.shape_cast %swap3A_179 : vector<1x16xf32> to vector<16xf32>
        %swap3A_181 = vector.shape_cast %add3A_176 : vector<16xf32> to vector<1x16xf32>
        tpu.vector_store %arg11[%swap3A_177, %swap3A_178], %swap3A_181 {strides = array<i32>} : memref<200x64xf32, #tpu.memory_space<vmem>>, vector<1x16xf32>,
        %mul3A_182 = arith.constant 64 : i32
        %mul3A_183 = arith.muli %scan3A_149, %mul3A_182 : i32
        %add3A_184 = arith.constant 32 : i32
        %add3A_185 = arith.addi %mul3A_183, %add3A_184 : i32
        %get3A_186 = arith.index_cast %add3A_185 : i32 to index
        %get3A_187 = tpu.vector_load %arg12[%get3A_186] {strides = array<i32>} : memref<12800xf32, #tpu.memory_space<vmem>>, vector<16xf32>,
        %get3A_188 = vector.shape_cast %get3A_187 : vector<16xf32> to vector<16xf32>
        %get3A_189 = arith.index_cast %scan3A_149 : i32 to index
        %get3A_190 = arith.constant 32 : index
        %get3A_191 = tpu.vector_load %arg9[%get3A_189, %get3A_190] {strides = array<i32>} : memref<200x128xf32, #tpu.memory_space<vmem>>, vector<1x16xf32>,
        %get3A_192 = vector.shape_cast %get3A_191 : vector<1x16xf32> to vector<16xf32>
        %add3A_193 = arith.addf %get3A_192, %get3A_188 : vector<16xf32>
        %swap3A_194 = arith.index_cast %scan3A_149 : i32 to index
        %swap3A_195 = arith.constant 32 : index
        %swap3A_196 = tpu.vector_load %arg11[%swap3A_194, %swap3A_195] {strides = array<i32>} : memref<200x64xf32, #tpu.memory_space<vmem>>, vector<1x16xf32>,
        %swap3A_197 = vector.shape_cast %swap3A_196 : vector<1x16xf32> to vector<16xf32>
        %swap3A_198 = vector.shape_cast %add3A_193 : vector<16xf32> to vector<1x16xf32>
        tpu.vector_store %arg11[%swap3A_194, %swap3A_195], %swap3A_198 {strides = array<i32>} : memref<200x64xf32, #tpu.memory_space<vmem>>, vector<1x16xf32>,
        %mul3A_199 = arith.constant 64 : i32
        %mul3A_200 = arith.muli %scan3A_149, %mul3A_199 : i32
        %add3A_201 = arith.constant 48 : i32
        %add3A_202 = arith.addi %mul3A_200, %add3A_201 : i32
        %get3A_203 = arith.index_cast %add3A_202 : i32 to index
        %get3A_204 = tpu.vector_load %arg12[%get3A_203] {strides = array<i32>} : memref<12800xf32, #tpu.memory_space<vmem>>, vector<16xf32>,
        %get3A_205 = vector.shape_cast %get3A_204 : vector<16xf32> to vector<16xf32>
        %get3A_206 = arith.index_cast %scan3A_149 : i32 to index
        %get3A_207 = arith.constant 48 : index
        %get3A_208 = tpu.vector_load %arg9[%get3A_206, %get3A_207] {strides = array<i32>} : memref<200x128xf32, #tpu.memory_space<vmem>>, vector<1x16xf32>,
        %get3A_209 = vector.shape_cast %get3A_208 : vector<1x16xf32> to vector<16xf32>
        %add3A_210 = arith.addf %get3A_209, %get3A_205 : vector<16xf32>
        %swap3A_211 = arith.index_cast %scan3A_149 : i32 to index
        %swap3A_212 = arith.constant 48 : index
        %swap3A_213 = tpu.vector_load %arg11[%swap3A_211, %swap3A_212] {strides = array<i32>} : memref<200x64xf32, #tpu.memory_space<vmem>>, vector<1x16xf32>,
        %swap3A_214 = vector.shape_cast %swap3A_213 : vector<1x16xf32> to vector<16xf32>
        %swap3A_215 = vector.shape_cast %add3A_210 : vector<16xf32> to vector<1x16xf32>
        tpu.vector_store %arg11[%swap3A_211, %swap3A_212], %swap3A_215 {strides = array<i32>} : memref<200x64xf32, #tpu.memory_space<vmem>>, vector<1x16xf32>,
      }
      %scan3A_139 = arith.constant 200 : i32
      %add3A_140 = arith.addi %mul3A_4, %add3A_98 : i32
      %dma_start3A_141 = arith.constant 0 : i32
      %dma_start3A_142 = arith.constant 0 : i32
      %dma_start3A_143 = tpu.memref_slice %arg5[%add3A_140, %dma_start3A_141, %dma_start3A_142] : memref<4096x200x64xf32, #tpu.memory_space<hbm>> -> memref<1x200x64xf32, #tpu.memory_space<hbm>>
      %dma_start3A_144 = tpu.memref_squeeze %dma_start3A_143 : memref<1x200x64xf32, #tpu.memory_space<hbm>> -> memref<200x64xf32, #tpu.memory_space<hbm>>
      %dma_start3A_145 = arith.constant 0 : i32
      %dma_start3A_146 = arith.constant 0 : i32
      %dma_start3A_147 = tpu.memref_slice %arg5[%add3A_140, %dma_start3A_145, %dma_start3A_146] : memref<4096x200x64xf32, #tpu.memory_space<hbm>> -> memref<1x200x64xf32, #tpu.memory_space<hbm>>
      %dma_start3A_148 = tpu.memref_squeeze %dma_start3A_147 : memref<1x200x64xf32, #tpu.memory_space<hbm>> -> memref<200x64xf32, #tpu.memory_space<hbm>>
      tpu.enqueue_dma source(%arg11 : memref<200x64xf32, #tpu.memory_space<vmem>>) target(%dma_start3A_148 : memref<200x64xf32, #tpu.memory_space<hbm>>) target_semaphore(%arg18 : memref<!tpu.dma_semaphore, #tpu.memory_space<semaphore_mem>>)
    }
    %scan3A_28 = arith.constant 64 : i32
    %dma_wait3A = arith.constant 0 : i32
    %dma_wait3A_29 = arith.constant 0 : i32
    %dma_wait3A_30 = arith.constant 0 : i32
    %dma_wait3A_31 = tpu.memref_slice %arg5[%dma_wait3A, %dma_wait3A_29, %dma_wait3A_30] : memref<4096x200x64xf32, #tpu.memory_space<hbm>> -> memref<1x200x64xf32, #tpu.memory_space<hbm>>
    %dma_wait3A_32 = tpu.memref_squeeze %dma_wait3A_31 : memref<1x200x64xf32, #tpu.memory_space<hbm>> -> memref<200x64xf32, #tpu.memory_space<hbm>>
    %dma_wait3A_33 = arith.constant 0 : i32
    %dma_wait3A_34 = arith.constant 0 : i32
    %dma_wait3A_35 = tpu.memref_slice %arg5[%dma_wait3A, %dma_wait3A_33, %dma_wait3A_34] : memref<4096x200x64xf32, #tpu.memory_space<hbm>> -> memref<1x200x64xf32, #tpu.memory_space<hbm>>
    %dma_wait3A_36 = tpu.memref_squeeze %dma_wait3A_35 : memref<1x200x64xf32, #tpu.memory_space<hbm>> -> memref<200x64xf32, #tpu.memory_space<hbm>>
    tpu.wait_dma2 semaphore(%arg17 : memref<!tpu.dma_semaphore, #tpu.memory_space<semaphore_mem>>) src(%arg10 : memref<200x64xf32, #tpu.memory_space<vmem>>) dst(%dma_wait3A_36 : memref<200x64xf32, #tpu.memory_space<hbm>>)
    %dma_wait3A_37 = arith.constant 0 : i32
    %dma_wait3A_38 = arith.constant 0 : i32
    %dma_wait3A_39 = arith.constant 0 : i32
    %dma_wait3A_40 = tpu.memref_slice %arg5[%dma_wait3A_37, %dma_wait3A_38, %dma_wait3A_39] : memref<4096x200x64xf32, #tpu.memory_space<hbm>> -> memref<1x200x64xf32, #tpu.memory_space<hbm>>
    %dma_wait3A_41 = tpu.memref_squeeze %dma_wait3A_40 : memref<1x200x64xf32, #tpu.memory_space<hbm>> -> memref<200x64xf32, #tpu.memory_space<hbm>>
    %dma_wait3A_42 = arith.constant 0 : i32
    %dma_wait3A_43 = arith.constant 0 : i32
    %dma_wait3A_44 = tpu.memref_slice %arg5[%dma_wait3A_37, %dma_wait3A_42, %dma_wait3A_43] : memref<4096x200x64xf32, #tpu.memory_space<hbm>> -> memref<1x200x64xf32, #tpu.memory_space<hbm>>
    %dma_wait3A_45 = tpu.memref_squeeze %dma_wait3A_44 : memref<1x200x64xf32, #tpu.memory_space<hbm>> -> memref<200x64xf32, #tpu.memory_space<hbm>>
    tpu.wait_dma2 semaphore(%arg18 : memref<!tpu.dma_semaphore, #tpu.memory_space<semaphore_mem>>) src(%arg11 : memref<200x64xf32, #tpu.memory_space<vmem>>) dst(%dma_wait3A_45 : memref<200x64xf32, #tpu.memory_space<hbm>>)
    return
  }
}

</mosaic_0001>

<sc_bundles>
// kernel: kernel.3.cloned.1.call-start
scs
__scs_entry_jumppad:
0x0: {  	(pc) =	sbr.rel $0x88, $3  }
0x1: {  	(tag) =	ssettag $0x0;
	lr =	simm.s32 $0x1  }
0x2: {  	[smem:$0x3F9E] =	sst lr;
	_ =	strace $0xD0000000  }
0x3: {  	_ = 	snop  }
0x4: {  	_ = 	snop  }
0x5: {  	_ = 	snop  }
0x6: {  	_ = 	snop  }
0x7: {  	_ = 	snop  }
__scs_overlays_trampoline_lowered:
0x8: {  	[smem:$0x3FAD] =	sst s0  }
0x9: {  	[smem:$0x3FAE] =	sst s1  }
0xa: {  	[smem:$0x3FAF] =	sst s2  }
0xb: {  	[smem:$0x3FB0] =	sst s3  }
0xc: {  	[smem:$0x3FB1] =	sst s4  }
0xd: {  	[smem:$0x3FB2] =	sst s5  }
0xe: {  	[smem:$0x3FB3] =	sst s6  }
0xf: {  	[smem:$0x3FB4] =	sst s7  }
0x10: {  	[smem:$0x3FB5] =	sst s8  }
0x11: {  	[smem:$0x3FB6] =	sst s9;
	s0 =	simm.s32 @!p0 $0x0  }
0x12: {  	s1 =	sld [smem:$0x3F9C];
	s0 =	simm.s32 @p0 $0x1  }
0x13: {  	[smem:$0x3FB7] =	sst s0;
	s0 =	simm.s32 @!p1 $0x0  }
0x14: {  	s2 =	sld [smem:$0x3F9B];
	s0 =	simm.s32 @p1 $0x1  }
0x15: {  	[smem:$0x3FB8] =	sst s0;
	s0 =	simm.s32 @!p2 $0x0  }
0x16: {  	s3 =	sld [smem:$0x3FDB];
	s0 =	simm.s32 @p2 $0x1  }
0x17: {  	s4 =	simm.s32 $0x1BF5;
	[smem:$0x3FBA] =	sst s0  }
0x18: {  	s0 =	sld [smem:$0x3F9D];
	_ =	swait.ge [sflag:s4], $0x0  }
0x19: {  	s7 =	sld [smem:$0x3F9E]  }
0x1a: {  	s8 =	sadd.s32 $0xFFFFE003, lr  }
0x1b: {  	s9 =	sadd.s32 $0xFFFFFEF7, lr;
	s5 =	simm.s32 $0xFFFFFFFF;
	p2 =	slt.u32 s8, $0xFFFFF086  }
0x1c: {  	p1 =	slt.u32 s9, $0xF7A;
	s5 =	simm.s32 @!p2 $0x0  }
0x1d: {  	s5 =	simm.s32 @p1 $0x1;
	p0 =	seq.s32 s7, s2  }
0x1e: {  	s7 =	smul.u32 @!p0 $0xF7A, s2;
	p2 =	seq.s32 @!p0 s5, $0x0  }
0x1f: {  	s9 =	smul.u32 $0xF7A, s1;
	s8 =	simm.s32 @!p0 $0x1BF5;
	p2 =	por !p2, p0  }
0x20: {  	[sflag:s8] =	ssyncset.s32 @!p0 $0xFFFFF086;
	s6 =	sadd.s32 @!p0 s3, s7;
	s7 =	simm.s32 @!p0 $0x108  }
0x21: {  	s3 =	sadd.s32 s3, s9;
	s6 =	sadd.s32 @!p0 $0x88, s6;
	s7 =	simm.s32 @p2 $0x1082  }
0x22: {  	[simem:s7], [sflag:s8] =	dma.local @!p0 [hbm:s6], $0xF7A  }
0x23: {  	s9 =	sor.u32 $0xD0000000, s2;
	s6 =	simm.s32 $0x108;
	_ =	swait.ge @!p0 [sflag:s8], $0x0  }
0x24: {  	s3 =	sadd.s32 $0x88, s3;
	s6 =	simm.s32 @!p1 $0x1082;
	[sflag:s4] =	ssyncset.s32 $0xFFFFF086  }
0x25: {  	[simem:s6], [sflag:s4] =	dma.local [hbm:s3], $0xF7A  }
0x26: {  	[smem:$0x3F9E] =	sst s1;
	(tag) =	ssettag s2;
	_ =	strace s9  }
0x27: {  	s1 =	sld [smem:$0x3FAE]  }
0x28: {  	s2 =	sld [smem:$0x3FAF]  }
0x29: {  	s4 =	sld [smem:$0x3FB1]  }
0x2a: {  	p0 =	seq.s32 s5, $0x0;
	s5 =	sld [smem:$0x3FB2]  }
0x2b: {  	s6 =	sld [smem:$0x3FB3]  }
0x2c: {  	s7 =	sld [smem:$0x3FB4]  }
0x2d: {  	s3 =	simm.s32 $0x108;
	s8 =	sld [smem:$0x3FB5]  }
0x2e: {  	s3 =	simm.s32 @!p0 $0x1082;
	s9 =	sld [smem:$0x3FB6]  }
0x2f: {  	lr =	sadd.s32 s0, s3;
	s0 =	sld [smem:$0x3FAD]  }
0x30: {  	s3 =	sld [smem:$0x3FB0]  }
0x31: {  	[smem:$0x3FB9] =	sst s10  }
0x32: {  	s10 =	sld [smem:$0x3FB7];
	_ =	sdelay $0x3  }
0x33: {  	p0 =	seq.s32 s10, $0x1;
	s10 =	sld [smem:$0x3FB9];
	_ =	sdelay $0x3  }
0x34: {  	[smem:$0x3FB9] =	sst s10  }
0x35: {  	s10 =	sld [smem:$0x3FB8];
	_ =	sdelay $0x3  }
0x36: {  	p1 =	seq.s32 s10, $0x1;
	s10 =	sld [smem:$0x3FB9];
	_ =	sdelay $0x3  }
0x37: {  	[smem:$0x3FB9] =	sst s10  }
0x38: {  	s10 =	sld [smem:$0x3FBA]  }
0x39: {  	_ = 	snop;
	(pc) =	sbr.ind lr, $3  }
0x3a: {  	_ = 	snop  }
0x3b: {  	_ = 	snop  }
0x3c: {  	p2 =	seq.s32 s10, $0x1;
	s10 =	sld [smem:$0x3FB9]  }
0x3d: {  	_ =	shalt  }
0x3e: {  	_ =	shalt  }
0x3f: {  	_ =	shalt  }
0x40: {  	_ =	shalt  }
0x41: {  	_ =	shalt  }
0x42: {  	_ =	shalt  }
0x43: {  	_ =	shalt  }
0x44: {  	_ =	shalt  }
0x45: {  	_ =	shalt  }
0x46: {  	_ =	shalt  }
0x47: {  	_ =	shalt  }
0x48: {  	_ =	shalt  }
0x49: {  	_ =	shalt  }
0x4a: {  	_ =	shalt  }
0x4b: {  	_ =	shalt  }
0x4c: {  	_ =	shalt  }
0x4d: {  	_ =	shalt  }
0x4e: {  	_ =	shalt  }
0x4f: {  	_ =	shalt  }
0x50: {  	_ =	shalt  }
0x51: {  	_ =	shalt  }
0x52: {  	_ =	shalt  }
0x53: {  	_ =	shalt  }
0x54: {  	_ =	shalt  }
0x55: {  	_ =	shalt  }
0x56: {  	_ =	shalt  }
0x57: {  	_ =	shalt  }
0x58: {  	_ =	shalt  }
0x59: {  	_ =	shalt  }
0x5a: {  	_ =	shalt  }
0x5b: {  	_ =	shalt  }
0x5c: {  	_ =	shalt  }
0x5d: {  	_ =	shalt  }
0x5e: {  	_ =	shalt  }
0x5f: {  	_ =	shalt  }
0x60: {  	_ =	shalt  }
0x61: {  	_ =	shalt  }
0x62: {  	_ =	shalt  }
0x63: {  	_ =	shalt  }
0x64: {  	_ =	shalt  }
0x65: {  	_ =	shalt  }
0x66: {  	_ =	shalt  }
0x67: {  	_ =	shalt  }
0x68: {  	_ =	shalt  }
0x69: {  	_ =	shalt  }
0x6a: {  	_ =	shalt  }
0x6b: {  	_ =	shalt  }
0x6c: {  	_ =	shalt  }
0x6d: {  	_ =	shalt  }
0x6e: {  	_ =	shalt  }
0x6f: {  	_ =	shalt  }
0x70: {  	_ =	shalt  }
0x71: {  	_ =	shalt  }
0x72: {  	_ =	shalt  }
0x73: {  	_ =	shalt  }
0x74: {  	_ =	shalt  }
0x75: {  	_ =	shalt  }
0x76: {  	_ =	shalt  }
0x77: {  	_ =	shalt  }
0x78: {  	_ =	shalt  }
0x79: {  	_ =	shalt  }
0x7a: {  	_ =	shalt  }
0x7b: {  	_ =	shalt  }
0x7c: {  	_ =	shalt  }
0x7d: {  	_ =	shalt  }
0x7e: {  	_ =	shalt  }
0x7f: {  	_ =	shalt  }
0x80: {  	_ =	shalt  }
0x81: {  	_ =	shalt  }
0x82: {  	_ =	shalt  }
0x83: {  	_ =	shalt  }
0x84: {  	_ =	shalt  }
0x85: {  	_ =	shalt  }
0x86: {  	_ =	shalt  }
0x87: {  	_ =	shalt  }
.Lfunc_end0:
.L_simem_size_0:
called_computation_lowered:
.L_overlay_start_0:
0x88: {  	s2 =	sld [smem:$0x3FD9]  }
0x89: {  	s3 =	sld [smem:$0x3FFE];
	_ =	sdelay $0x1  }
0x8a: {  	s1 =	srdreg.scid  }
0x8b: {  	s0 =	sand.u32 $0x1, s1  }
0x8c: {  	s16 =	sshll.u32 s0, $0xA;
	s2 =	sadd.s32 s3, s2  }
0x8d: {  	s2 =	sadd.s32 s2, s16  }
0x8e: {  	[smem:$0x3FC5] =	sst s2  }
0x8f: {  	_ = 	snop  }
0x90: {  	(tm) =	ssettm $0x1  }
0x91: {  	s17 =	sld [smem:$0x3FFB];
	_ =	sdelay $0x3  }
0x92: {  	_ =	strace s17  }
0x93: {  	s2 =	sld [smem:$0x3FFC];
	_ =	sdelay $0x3  }
0x94: {  	_ =	strace s2  }
0x95: {  	s2 =	sld [smem:$0x3FFD];
	_ =	sdelay $0x3  }
0x96: {  	_ =	strace s2  }
0x97: {  	_ =	strace $0x8FFFFFFF  }
0x98: {  	s18 =	sld [smem:$0x3FDB];
	_ =	sdelay $0x1  }
0x99: {  	s19 =	simm.s32 $_scs_section_size  }
0x9a: {  	s4 =	simm.s32 $_size__tile_overlayer_lowered;
	s5 =	simm.s32 $_tile_overlayer_lowered  }
0x9b: {  	s22 =	simm.s32 $0x1BFF;
	s21 =	sshll.u32 s5, $0x1;
	s2 =	sadd.s32 s19, s18  }
0x9c: {  	s6 =	simm.s32 $0x0;
	s20 =	sshll.u32 s4, $0x1;
	s4 =	sadd.s32 s21, s2  }
0x9d: {  	[timem:s6], [sflag:s22] =	dma.local [hbm:s4], s20  }
0x9e: {  	_ =	swait.ge [sflag:s22], s20  }
0x9f: {  	s3 =	ssub.s32 $0x0, s20;
	[sflag:s22] =	ssyncset.done $0x0  }
0xa0: {  	[sflag:s22] =	ssyncadd.s32 s3;
	_ =	sdelay $0x1  }
0xa1: {  	s23 =	simm.s32 $0x1B8B  }
0xa2: {  	_ =	swait.ge [sflag:s23], $0x1  }
0xa3: {  	[sflag:s23] =	ssyncset.done $0x0  }
0xa4: {  	s25 =	simm.s32 $0x1B8E;
	s24 =	sld [smem:$0x3FFE];
	[sflag:s23] =	ssyncadd.s32 $0xFFFFFFFF  }
0xa5: {  	s26 =	simm.s32 $execute0_lowered;
	[smem:$0x3FD2] =	sst s25  }
0xa6: {  	s4 =	sshll.u32 s26, $0x1;
	_ =	strace $0x80000046;
	[dreg:$0x1] =	wrdreg $0xFFFFFFFF  }
0xa7: {  	s28 =	simm.s32 $_size_execute0_lowered;
	s2 =	sadd.s32 s2, s4;
	[dreg:$0x0] =	wrdreg $0x0  }
0xa8: {  	s4 =	sshll.u32 s28, $0x1;
	[dreg:$0x2] =	wrdreg s2  }
0xa9: {  	[dreg:$0x3] =	wrdreg s4  }
0xaa: {  	[dreg:$0x4] =	wrdreg $0xC0  }
0xab: {  	_ =	task [dreg:s6], $0x5FFFF  }
0xac: {  	[dreg:$0x1] =	wrdreg $0xFFFFFFFF  }
0xad: {  	[dreg:$0x0] =	wrdreg $0x60  }
0xae: {  	[dreg:$0x2] =	wrdreg s24  }
0xaf: {  	[dreg:$0x3] =	wrdreg $0x9  }
0xb0: {  	_ =	task.clear_ibuf [dreg:s6], $0x4FFFF;
	_ =	strace $0x90000046  }
0xb1: {  	s29 =	simm.s32 $0x9;
	_ =	strace $0x80000048  }
0xb2: {  	_ =	swait.ge [sflag:s29], $0x1  }
0xb3: {  	[sflag:s29] =	ssyncadd.s32 $0xFFFFFFFF  }
0xb4: {  	_ =	strace $0x90000048  }
0xb5: {  	_ =	sfence  }
0xb6: {  	s30 =	sld [smem:$0x0];
	_ =	sdelay $0x2  }
0xb7: {  	s31 =	sshll.u32 s1, $0xD;
	s1 =	sshrl.u32 s1, $0x2  }
0xb8: {  	s3 =	sand.u32 $0x4000, s31;
	s1 =	sadd.s32 s1, s30  }
0xb9: {  	s0 =	sor.u32 s3, s0;
	s1 =	sshll.u32 s1, $0x11  }
0xba: {  	s0 =	sor.u32 s1, s0  }
0xbb: {  	s0 =	sadd.s32 $0x8F2B, s0  }
0xbc: {  	[sflag:s0] =	ssyncadd.remote.s32 $0x1  }
0xbd: {  	_ =	sfence.sel $0xFFFF  }
0xbe: {  	[dreg:$0x0] =	wrdreg $0xFFFFFFFF;
	(pc) =	sbr.abs _section_cstart, $3  }
0xbf: {  	[dreg:$0x1] =	wrdreg $0xFFFFFFFF  }
0xc0: {  	_ =	task.clear_ibuf [dreg:s6], $0x2FFFF;
	_ =	strace $0x9FFFFFFF  }
0xc1: {  	(tm) =	ssettm $0x7FFFFFFF  }
tec
execute0_lowered:
.L_overlay_start_1:
0x0: {  	(tag) =	ssettag $0x1  }
0x1: {  	s0 =	rddreg [dreg:$0x0]  }
0x2: {  	s1 =	srdreg.scid;
	s3 =	stileid.u32  }
0x3: {  	s2 =	simm.s32 $0x0;
	s15 =	simm.s32 $0x80;
	s16 =	simm.s32 $0x200  }
0x4: {  	s17 =	simm.s32 $0x48;
	s18 =	simm.s32 $0x4200;
	s19 =	simm.s32 $0x100  }
0x5: {  	s20 =	simm.s32 $0x2;
	s21 =	simm.s32 $0x6600;
	s22 =	simm.s32 $0x180  }
0x6: {  	s23 =	simm.s32 $0xA600;
	s24 =	simm.s32 $0x3;
	s28 =	simm.s32 $0x6  }
0x7: {  	s29 =	simm.s32 $0x12E00;
	s30 =	simm.s32 $0x5;
	s31 =	simm.s32 $0x1  }
0x8: {  	s1 =	sand.u32 $0x1, s1;
	s3 =	sshll.u32 s3, $0x1;
	[smem:$0x7FF] =	sst s2  }
0x9: {  	s4 =	sadd.s32 $0x19C00, s0;
	s6 =	sadd.s32 $0x400, s0;
	s5 =	sor.u32 s1, s3  }
0xa: {  	_ =	strace $0x80000047;
	s3 =	sadd.s32 $0xC00, s0;
	s1 =	ssub.s32 $0x2, s1  }
0xb: {  	[dreg:$0x2] =	wrdreg s6;
	s7 =	smul.u32 $0x6400, s5;
	s8 =	sshrl.u32 s1, $0x1  }
0xc: {  	s6 =	sadd.s32 $0x1A0600, s0;
	s25 =	ssub.s32 s1, s8;
	s8 =	sshll.u32 s5, $0x7  }
0xd: {  	s9 =	sshrl.u32 s7, $0x3;
	s10 =	sor.u32 $0x190, s7;
	s0 =	smax.u32 s25, $0x1  }
0xe: {  	s11 =	sor.u32 $0x258, s7;
	s26 =	sadd.s32 s3, s9;
	[dreg:$0x5] =	wrdreg s0  }
0xf: {  	s25 =	simm.s32 $0xCA00;
	[dreg:$0x3] =	wrdreg s26;
	s1 =	sadd.s32 $0x19, s26  }
0x10: {  	s0 =	simm.s32 $0x0;
	s26 =	simm.s32 $0x4;
	[dreg:$0x4] =	wrdreg s1  }
.LBB2_1:
0x11: {  	s1 =	rddreg [dreg:$0x2];
	s5 =	simm.s32 $0x19200;
	s12 =	simm.s32 $0x7  }
0x12: {  	[tilespmem:s5], [sflag:$0x7] =	stream.linear.gather [hbm4b:s1+s2], $0x3200, $0x38;
	[tilespmem:$0x1C400] =	vst v63  }
0x13: {  	_ =	swait.ge [sflag:s12], $0x3200  }
0x14: {  	[sflag:s12] =	ssyncset.done $0x0  }
0x15: {  	s13 =	rddreg [dreg:$0x3];
	[sflag:s12] =	ssyncadd.s32 $0xFFFFCE00  }
0x16: {  	[tilespmem:s2], [sflag:$0x7] =	stream.linear.gather [hbm4b:s13+s2], $0xC8, $0x38;
	[tilespmem:$0x1C400] =	vst v63  }
0x17: {  	_ =	swait.ge [sflag:s12], $0xC8  }
0x18: {  	[sflag:s12] =	ssyncset.done $0x0  }
0x19: {  	[sflag:s12] =	ssyncadd.s32 $0xFFFFFF38  }
0x1a: {  	[tilespmem:s16], [sflag:$0x3] =	stream.indirect.gather [hbm4b:s4+s15], $0x80, s2, s15, $0xb8;
	[tilespmem:$0x1C400] =	vst v63  }
0x1b: {  	_ = 	snop  }
0x1c: {  	[tilespmem:s18], [sflag:$0x3] =	stream.indirect.gather [hbm4b:s4+s17], $0x80, s15, s17, $0xb8;
	[tilespmem:$0x1C400] =	vst v63  }
0x1d: {  	s1 =	simm.s32 $0x0;
	s14 =	rddreg [dreg:$0x4]  }
0x1e: {  	[tilespmem:s19], [sflag:$0x2] =	stream.linear.gather [hbm4b:s14+s2], $0xC8, $0x38;
	[tilespmem:$0x1C400] =	vst v63  }
.LBB2_2:
0x1f: {  	_ =	swait.ge [sflag:s20], $0xC8  }
0x20: {  	[sflag:s20] =	ssyncset.done $0x0  }
0x21: {  	[sflag:s20] =	ssyncadd.s32 $0xFFFFFF38  }
0x22: {  	[tilespmem:s21], [sflag:$0x4] =	stream.indirect.gather [hbm4b:s4+s15], $0x80, s19, s15, $0xb8;
	[tilespmem:$0x1C400] =	vst v63  }
0x23: {  	p0 =	seq.s32 s1, $0x3F  }
0x24: {  	[tilespmem:s23], [sflag:$0x4] =	stream.indirect.gather [hbm4b:s4+s17], $0x80, s22, s17, $0xb8;
	[tilespmem:$0x1C400] =	vst v63  }
0x25: {  	p1 =	seq.s32 @!p0 s1, $0x0;
	_ =	swait.ge [sflag:s24], $0x4000  }
0x26: {  	s5 =	smul.u32 @!p0 $0x190, s1;
	p1 =	por p0, !p1;
	[sflag:s24] =	ssyncset.done $0x0  }
.Ltmp0:
0x27: {  	[sflag:s24] =	ssyncadd.s32 $0xFFFFC000;
	(pc) =	sbr.rel @!p1 .LBB2_3-.Ltmp0, $4  }
0x28: {  	s5 =	sadd.s32 @!p0 s5, s10;
	_ =	swait.ge [sflag:s24], $0x2400  }
0x29: {  	s5 =	sshrl.u32 @!p0 s5, $0x3;
	[sflag:s24] =	ssyncset.done $0x0  }
0x2a: {  	s7 =	simm.s32 @!p0 $0x0;
	s5 =	sadd.s32 @!p0 s3, s5;
	[sflag:s24] =	ssyncadd.s32 $0xFFFFDC00  }
0x2b: {  	[tilespmem:s7], [sflag:$0x1] =	stream.linear.gather @!p0 [hbm4b:s5+s7], $0xC8, $0x38;
	[tilespmem:$0x1C400] =	vst v63  }
.Ltmp1:
0x2c: {  	(pc) =	sbr.rel .LBB2_5-.Ltmp1, $4  }
0x2d: {  	_ = 	snop  }
0x2e: {  	_ =	swait.ge [sflag:s30], $0x6400  }
0x2f: {  	[sflag:s30] =	ssyncset.done $0x0  }
0x30: {  	p1 =	por $0x0, $0x0;
	[sflag:s30] =	ssyncadd.s32 $0xFFFF9C00  }
.LBB2_3:
0x31: {  	p1 =	por @!p0 $0x1, $0x1  }
.LBB2_5:
0x32: {  	s9 =	sshll.u32 s1, $0x1;
	s5 =	simm.s32 $0x0  }
0x33: {  	s13 =	sshllo.u32 s1, $0x1;
	s12 =	simm.s32 $0x19220;
	s7 =	simm.s32 $0x200;
	v0 =	vld [tilespmem:s5+$0x200]  }
.LBB2_6:
0x34: {  	p2 =	sne.s32 s7, $0x18E00;
	v1 =	vld [tilespmem:s12+$0xFFFFFFE0];
	_ =	sdelay $0x4  }
0x35: {  	v0 =	vadd.f32 v0, v1;
	_ =	sdelay $0x1  }
0x36: {  	[tilespmem:s5+$0xCA00] =	vst v0;
	v0 =	vld [tilespmem:s5+$0x210]  }
0x37: {  	v1 =	vld [tilespmem:s12+$0xFFFFFFF0];
	_ =	sdelay $0x4  }
0x38: {  	v0 =	vadd.f32 v0, v1;
	_ =	sdelay $0x1  }
0x39: {  	[tilespmem:s5+$0xCA10] =	vst v0;
	v0 =	vld [tilespmem:s5+$0x220]  }
0x3a: {  	v1 =	vld [tilespmem:s12+$0x0];
	_ =	sdelay $0x4  }
0x3b: {  	v0 =	vadd.f32 v0, v1;
	_ =	sdelay $0x1  }
0x3c: {  	[tilespmem:s5+$0xCA20] =	vst v0;
	v0 =	vld [tilespmem:s5+$0x230]  }
0x3d: {  	v1 =	vld [tilespmem:s12+$0x10];
	_ =	sdelay $0x2  }
.Ltmp2:
0x3e: {  	(pc) =	sbr.rel @p2 .LBB2_6-.Ltmp2, $4  }
0x3f: {  	_ = 	snop  }
0x40: {  	v1 =	vadd.f32 v0, v1  }
0x41: {  	s14 =	sshra.s32 s7, $0x2  }
0x42: {  	s7 =	sadd.s32 $0x200, s7;
	s12 =	sadd.s32 $0x40, s12;
	v0 =	vld [tilespmem:s14+$0x200];
	[tilespmem:s5+$0xCA30] =	vst v1;
	s5 =	smov.u32 s14  }
0x43: {  	v1 =	vld [tilespmem:s12+$0xFFFFFFE0];
	_ =	sdelay $0x4  }
0x44: {  	v0 =	vadd.f32 v0, v1;
	_ =	sdelay $0x1  }
0x45: {  	v58 =	vld [tilespmem:s5+$0x210];
	[tilespmem:s5+$0xCA00] =	vst v0  }
0x46: {  	v59 =	vld [tilespmem:s12+$0xFFFFFFF0];
	_ =	sdelay $0x4  }
0x47: {  	v0 =	vadd.f32 v58, v59;
	_ =	sdelay $0x1  }
0x48: {  	v60 =	vld [tilespmem:s5+$0x220];
	[tilespmem:s5+$0xCA10] =	vst v0  }
0x49: {  	v61 =	vld [tilespmem:s12+$0x0];
	_ =	sdelay $0x4  }
0x4a: {  	v0 =	vadd.f32 v60, v61;
	_ =	sdelay $0x1  }
0x4b: {  	v62 =	vld [tilespmem:s5+$0x230];
	[tilespmem:s5+$0xCA20] =	vst v0  }
0x4c: {  	v63 =	vld [tilespmem:s12+$0x10];
	_ =	sdelay $0x3  }
.Ltmp3:
0x4d: {  	s7 =	sadd.s32 s8, s9;
	(pc) =	sbr.rel @!p0 .LBB2_8-.Ltmp3, $3  }
0x4e: {  	s7 =	smul.u32 $0xC80, s7;
	v0 =	vadd.f32 v62, v63;
	_ =	sdelay $0x1  }
0x4f: {  	s14 =	sadd.s32 s6, s7;
	[tilespmem:s5+$0xCA30] =	vst v0  }
0x50: {  	[hbm4b:s14+s2] =	stream.linear.scatter [tilespmem:s25], [sflag:$0x5], $0x6400, $0x38;
	[tilespmem:$0x1C400] =	vst v63  }
0x51: {  	_ =	swait.ge [sflag:s26], $0x4000  }
.Ltmp4:
0x52: {  	[sflag:s26] =	ssyncset.done $0x0;
	(pc) =	sbr.rel .LBB2_10-.Ltmp4, $4  }
0x53: {  	[sflag:s26] =	ssyncadd.s32 $0xFFFFC000  }
0x54: {  	_ =	swait.ge [sflag:s26], $0x2400  }
0x55: {  	[sflag:s26] =	ssyncset.done $0x0  }
0x56: {  	[sflag:s26] =	ssyncadd.s32 $0xFFFFDC00  }
.LBB2_8:
0x57: {  	_ =	swait.ge [sflag:s31], $0xC8  }
0x58: {  	[sflag:s31] =	ssyncset.done $0x0  }
0x59: {  	[sflag:s31] =	ssyncadd.s32 $0xFFFFFF38  }
0x5a: {  	[tilespmem:s16], [sflag:$0x3] =	stream.indirect.gather [hbm4b:s4+s15], $0x80, s2, s15, $0xb8;
	[tilespmem:$0x1C400] =	vst v63  }
0x5b: {  	_ = 	snop  }
0x5c: {  	[tilespmem:s18], [sflag:$0x3] =	stream.indirect.gather [hbm4b:s4+s17], $0x80, s15, s17, $0xb8;
	[tilespmem:$0x1C400] =	vst v63  }
0x5d: {  	_ =	swait.ge [sflag:s26], $0x4000  }
0x5e: {  	s5 =	smul.u32 $0x190, s1;
	[sflag:s26] =	ssyncset.done $0x0  }
.Ltmp5:
0x5f: {  	[sflag:s26] =	ssyncadd.s32 $0xFFFFC000;
	(pc) =	sbr.rel @p1 .LBB2_11-.Ltmp5, $4  }
0x60: {  	s5 =	sadd.s32 s5, s11;
	_ =	swait.ge [sflag:s26], $0x2400  }
0x61: {  	s5 =	sshrl.u32 s5, $0x3;
	[sflag:s26] =	ssyncset.done $0x0  }
0x62: {  	s5 =	sadd.s32 s3, s5;
	[sflag:s26] =	ssyncadd.s32 $0xFFFFDC00  }
0x63: {  	[tilespmem:s19], [sflag:$0x2] =	stream.linear.gather [hbm4b:s5+s2], $0xC8, $0x38;
	[tilespmem:$0x1C400] =	vst v63  }
.LBB2_10:
0x64: {  	_ =	swait.ge [sflag:s28], $0x6400  }
0x65: {  	[sflag:s28] =	ssyncset.done $0x0  }
0x66: {  	[sflag:s28] =	ssyncadd.s32 $0xFFFF9C00  }
.LBB2_11:
0x67: {  	s5 =	simm.s32 $0x0  }
0x68: {  	s9 =	simm.s32 $0x19220;
	s7 =	simm.s32 $0x200;
	v0 =	vld [tilespmem:s5+$0x6600]  }
.LBB2_12:
0x69: {  	p0 =	sne.s32 s7, $0x18E00;
	v1 =	vld [tilespmem:s9+$0xFFFFFFE0];
	_ =	sdelay $0x4  }
0x6a: {  	v0 =	vadd.f32 v0, v1;
	_ =	sdelay $0x1  }
0x6b: {  	[tilespmem:s5+$0x12E00] =	vst v0;
	v0 =	vld [tilespmem:s5+$0x6610]  }
0x6c: {  	v1 =	vld [tilespmem:s9+$0xFFFFFFF0];
	_ =	sdelay $0x4  }
0x6d: {  	v0 =	vadd.f32 v0, v1;
	_ =	sdelay $0x1  }
0x6e: {  	[tilespmem:s5+$0x12E10] =	vst v0;
	v0 =	vld [tilespmem:s5+$0x6620]  }
0x6f: {  	v1 =	vld [tilespmem:s9+$0x0];
	_ =	sdelay $0x4  }
0x70: {  	v0 =	vadd.f32 v0, v1;
	_ =	sdelay $0x1  }
0x71: {  	[tilespmem:s5+$0x12E20] =	vst v0;
	v0 =	vld [tilespmem:s5+$0x6630]  }
0x72: {  	v1 =	vld [tilespmem:s9+$0x10];
	_ =	sdelay $0x2  }
.Ltmp6:
0x73: {  	(pc) =	sbr.rel @p0 .LBB2_12-.Ltmp6, $4  }
0x74: {  	_ = 	snop  }
0x75: {  	v1 =	vadd.f32 v0, v1  }
0x76: {  	s12 =	sshra.s32 s7, $0x2  }
0x77: {  	s7 =	sadd.s32 $0x200, s7;
	s9 =	sadd.s32 $0x40, s9;
	v0 =	vld [tilespmem:s12+$0x6600];
	[tilespmem:s5+$0x12E30] =	vst v1;
	s5 =	smov.u32 s12  }
0x78: {  	v1 =	vld [tilespmem:s9+$0xFFFFFFE0];
	_ =	sdelay $0x4  }
0x79: {  	v0 =	vadd.f32 v0, v1;
	_ =	sdelay $0x1  }
0x7a: {  	v58 =	vld [tilespmem:s5+$0x6610];
	[tilespmem:s5+$0x12E00] =	vst v0  }
0x7b: {  	v59 =	vld [tilespmem:s9+$0xFFFFFFF0];
	_ =	sdelay $0x4  }
0x7c: {  	v0 =	vadd.f32 v58, v59;
	_ =	sdelay $0x1  }
0x7d: {  	v60 =	vld [tilespmem:s5+$0x6620];
	[tilespmem:s5+$0x12E10] =	vst v0  }
0x7e: {  	v61 =	vld [tilespmem:s9+$0x0];
	_ =	sdelay $0x4  }
0x7f: {  	v0 =	vadd.f32 v60, v61;
	_ =	sdelay $0x1  }
0x80: {  	v62 =	vld [tilespmem:s5+$0x6630];
	[tilespmem:s5+$0x12E20] =	vst v0  }
0x81: {  	v63 =	vld [tilespmem:s9+$0x10];
	_ =	sdelay $0x1  }
0x82: {  	s1 =	sadd.s32 $0x1, s1  }
0x83: {  	p0 =	sne.s32 s1, $0x40  }
.Ltmp7:
0x84: {  	s7 =	sadd.s32 s8, s13;
	(pc) =	sbr.rel @p0 .LBB2_2-.Ltmp7, $3  }
0x85: {  	s7 =	smul.u32 $0xC80, s7;
	v0 =	vadd.f32 v62, v63;
	_ =	sdelay $0x1  }
0x86: {  	s14 =	sadd.s32 s6, s7;
	[tilespmem:s5+$0x12E30] =	vst v0  }
0x87: {  	[hbm4b:s14+s2] =	stream.linear.scatter [tilespmem:s29], [sflag:$0x6], $0x6400, $0x38;
	[tilespmem:$0x1C400] =	vst v63  }
0x88: {  	_ =	swait.ge [sflag:s30], $0x6400  }
0x89: {  	[sflag:s30] =	ssyncset.done $0x0  }
0x8a: {  	[sflag:s30] =	ssyncadd.s32 $0xFFFF9C00  }
0x8b: {  	_ =	swait.ge [sflag:s28], $0x6400  }
0x8c: {  	s0 =	sadd.s32 $0x1, s0;
	s1 =	rddreg [dreg:$0x5]  }
0x8d: {  	p0 =	sne.s32 s0, s1  }
.Ltmp8:
0x8e: {  	_ = 	snop;
	(pc) =	sbr.rel @p0 .LBB2_1-.Ltmp8, $3  }
0x8f: {  	_ =	sdelay $0x1  }
0x90: {  	[sflag:s28] =	ssyncset.done $0x0  }
0x91: {  	[sflag:s28] =	ssyncadd.s32 $0xFFFF9C00  }
0x92: {  	_ =	sfence.sel $0x180000  }
0x93: {  	[bflag:$0x0] =	sbarrier.arrive $0xFFFF  }
0x94: {  	_ =	strace $0x90000047  }
0x95: {  	s0 =	stileid.u32;
	[bflag:$0x2] =	sbarrier.arrive $0xFFFF  }
0x96: {  	p0 =	sne.s32 s0, $0x0;
	s0 =	rddreg [dreg:$0x1]  }
0x97: {  	s0 =	sadd.s32 @!p0 $0x100000, s0  }
0x98: {  	[sflag:s0] =	ssyncadd.tile.s32 @!p0 $0x1;
	_ =	shalt  }
.Lfunc_end2:
_tile_overlayer_lowered:
.L_overlay_start_2:
0x99: {  	(tag) =	ssettag $0x2  }
0x9a: {  	s0 =	rddreg [dreg:$0x0];
	s2 =	stileid.u32  }
0x9b: {  	s1 =	rddreg [dreg:$0x1];
	p0 =	sne.s32 s2, $0x0  }
0x9c: {  	s3 =	rddreg [dreg:$0x2];
	[bflag:$0x3] =	sbarrier.arrive $0xFFFF;
	s2 =	simm.s32 @!p0 $0x1C07  }
0x9d: {  	[timem:s3], [sflag:s2] =	dma.local @!p0 [hbm:s0], s1  }
0x9e: {  	s0 =	simm.s32 @!p0 $0x7  }
0x9f: {  	_ =	swait.ge @!p0 [sflag:s0], s1  }
0xa0: {  	s1 =	ssub.s32 @!p0 $0x0, s1;
	[sflag:s0] =	ssyncset.done @!p0 $0x0  }
0xa1: {  	[sflag:s0] =	ssyncadd.s32 @!p0 s1  }
0xa2: {  	[bflag:$0x3] =	sbarrier.arrive $0xFFFF  }
0xa3: {  	_ =	shalt  }

</sc_bundles>
